<compile_context>
chip_gen: v7x
topology: tpu7x:2x2x1
jax: 0.10.2.dev20260603
libtpu: 0.0.44.dev20260713+nightly
codegen_flags: <defaults>
</compile_context>

<pallas_src>
import functools

import jax
import jax.numpy as jnp
from jax import lax
from jax.experimental import pallas as pl
from jax.experimental.pallas import tpu as pltpu
from jax.experimental.pallas import tpu_sc as plsc

_LANES = 16
_NBUF = 2


@functools.lru_cache(maxsize=None)
def _build(n: int, chv: int, nw: int, unroll: int, c0: int, c1: int):
    che = chv * _LANES
    assert (n // che) * che == n
    nch = c1 - c0
    nout = nch * che
    iters = (nch + nw - 1) // nw
    outer_iters = (iters + _NBUF - 1) // _NBUF

    mesh = plsc.VectorSubcoreMesh(core_axis_name="c", subcore_axis_name="s")
    nc = 2

    @functools.partial(
        pl.kernel,
        out_type=(jax.ShapeDtypeStruct((nout,), jnp.float32),
                  jax.ShapeDtypeStruct((nout,), jnp.float32)),
        mesh=mesh,
        compiler_params=pltpu.CompilerParams(needs_layout_passes=False),
        scratch_types=[
            pltpu.VMEM((64,), jnp.float32),
            pltpu.VMEM((64,), jnp.float32),
        ] + [pltpu.VMEM((che,), jnp.int32) for _ in range(_NBUF)]
          + [pltpu.VMEM((che,), jnp.float32) for _ in range(_NBUF)]
          + [pltpu.VMEM((che,), jnp.float32) for _ in range(_NBUF)]
          + [pltpu.SemaphoreType.DMA for _ in range(2 * _NBUF)],
    )
    def k(sp_hbm, scales_hbm, shifts_hbm, s_hbm, b_hbm,
          scales_v, shifts_v, sp0, sp1, sb0, sb1, bb0, bb1,
          isem0, isem1, osem0, osem1):
        sp_bufs = [sp0, sp1]
        s_bufs = [sb0, sb1]
        b_bufs = [bb0, bb1]
        in_sems = [isem0, isem1]
        out_sems = [osem0, osem1]

        w = lax.axis_index("s") * nc + lax.axis_index("c")
        pltpu.sync_copy(scales_hbm, scales_v)
        pltpu.sync_copy(shifts_hbm, shifts_v)

        def start_in(k_, slot):
            ci = w + k_ * nw

            @pl.when(ci < nch)
            def _():
                pltpu.async_copy(sp_hbm.at[pl.ds((c0 + ci) * che, che)],
                                 sp_bufs[slot], in_sems[slot])

        def step(k_, slot):
            ci = w + k_ * nw

            @pl.when(ci < nch)
            def _():
                base = ci * che
                pltpu.make_async_copy(sp_hbm.at[pl.ds(base, che)],
                                      sp_bufs[slot], in_sems[slot]).wait()
                @pl.when(k_ >= _NBUF)
                def _():
                    pltpu.make_async_copy(s_bufs[slot],
                                          s_hbm.at[pl.ds(base, che)],
                                          out_sems[slot]).wait()
                    pltpu.make_async_copy(b_bufs[slot],
                                          b_hbm.at[pl.ds(base, che)],
                                          out_sems[slot]).wait()

                sp_b, s_b, b_b = sp_bufs[slot], s_bufs[slot], b_bufs[slot]

                @plsc.parallel_loop(0, chv, unroll=unroll)
                def _(i):
                    off = i * _LANES
                    idx = sp_b[pl.ds(off, _LANES)]
                    s_b[pl.ds(off, _LANES)] = plsc.load_gather(scales_v, [idx])
                    b_b[pl.ds(off, _LANES)] = plsc.load_gather(shifts_v, [idx])

                pltpu.async_copy(s_b, s_hbm.at[pl.ds(base, che)],
                                 out_sems[slot])
                pltpu.async_copy(b_b, b_hbm.at[pl.ds(base, che)],
                                 out_sems[slot])
                start_in(k_ + _NBUF, slot)

        for s in range(_NBUF):
            start_in(s, s)

        def outer(kk, carry):
            for s in range(_NBUF):
                step(kk * _NBUF + s, s)
            return carry

        lax.fori_loop(0, outer_iters, outer, 0)

        my_iters = (nch - w + nw - 1) // nw

        for s in range(_NBUF):
            for d in range(1, _NBUF + 1):
                k_ = my_iters - d

                @pl.when((k_ >= 0) & (k_ % _NBUF == s))
                def _():
                    pltpu.make_async_copy(s_bufs[s],
                                          s_hbm.at[pl.ds(0, che)],
                                          out_sems[s]).wait()
                    pltpu.make_async_copy(b_bufs[s],
                                          b_hbm.at[pl.ds(0, che)],
                                          out_sems[s]).wait()

    return k


def kernel(x, species, scales, shifts):
    n = x.shape[0]
    chv = 1000
    nch = n // (chv * _LANES)
    k = _build(n, chv, 32, 8, 0, nch)
    s_arr, b_arr = k(species, scales, shifts)
    return s_arr.reshape(n, 1) * x + b_arr.reshape(n, 1)

# --- scband reference (transcript-rebuilt; emitter-appended) ---
"""Pipeline reference for scband-per-type-scale-shift-50199577756235 (READ-ONLY COPY).

The authoritative reference and input builder live on the scoring server;
editing this copy changes nothing except your own understanding.
"""

import jax, jax.numpy as jnp
import numpy as np

N = 4_000_000
NUM_TYPES = 64

def setup_inputs(seed: int = 0) -> dict:
    key = jax.random.key(seed)
    k1, k2, k3, k4 = jax.random.split(key, 4)
    species = jax.random.randint(k1, (N,), 0, NUM_TYPES)
    x = jax.random.normal(k2, (N, 1), dtype=jnp.float32)
    # learned per-type parameters (initialized as broadcast of single values, then perturbed like trained params)
    scales = 1.5 * jnp.ones((NUM_TYPES,), dtype=jnp.float32) + 0.1 * jax.random.normal(k3, (NUM_TYPES,), dtype=jnp.float32)
    shifts = 0.1 * jnp.ones((NUM_TYPES,), dtype=jnp.float32) + 0.1 * jax.random.normal(k4, (NUM_TYPES,), dtype=jnp.float32)
    return {"x": x, "species": species, "scales": scales, "shifts": shifts}

def reference(x, species, scales, shifts):
    # gather per-atom scale/shift by species type, then affine transform
    s = jnp.take(scales, species).reshape(-1, 1)
    b = jnp.take(shifts, species).reshape(-1, 1)
    out = s * x
    out = b + out
    return out

if __name__ == "__main__":
    import jax
    _d = setup_inputs()
    print(jax.jit(kernel)(*tuple(_d.values())))

</pallas_src>

<mosaic_0001>
#map = affine_map<(d0, d1) -> (0)>
module attributes {stable_mosaic.version = 14 : i64} {
  func.func @k(%arg0: i32, %arg1: i32, %arg2: memref<4000000xi32, #tpu.memory_space<hbm>>, %arg3: memref<64xf32, #tpu.memory_space<hbm>>, %arg4: memref<64xf32, #tpu.memory_space<hbm>>, %arg5: memref<4000000xf32, #tpu.memory_space<hbm>>, %arg6: memref<4000000xf32, #tpu.memory_space<hbm>>, %arg7: memref<64xf32, #tpu.memory_space<vmem>>, %arg8: memref<64xf32, #tpu.memory_space<vmem>>, %arg9: memref<16000xi32, #tpu.memory_space<vmem>>, %arg10: memref<16000xi32, #tpu.memory_space<vmem>>, %arg11: memref<16000xf32, #tpu.memory_space<vmem>>, %arg12: memref<16000xf32, #tpu.memory_space<vmem>>, %arg13: memref<16000xf32, #tpu.memory_space<vmem>>, %arg14: memref<16000xf32, #tpu.memory_space<vmem>>, %arg15: memref<!tpu.dma_semaphore, #tpu.memory_space<semaphore_mem>>, %arg16: memref<!tpu.dma_semaphore, #tpu.memory_space<semaphore_mem>>, %arg17: memref<!tpu.dma_semaphore, #tpu.memory_space<semaphore_mem>>, %arg18: memref<!tpu.dma_semaphore, #tpu.memory_space<semaphore_mem>>) attributes {dimension_semantics = [#tpu.dimension_semantics<core_parallel>, #tpu.dimension_semantics<subcore_parallel>], iteration_bounds = array<i64: 2, 16>, scalar_prefetch = 0 : i64, scratch_operands = 12 : i64, tpu.core_type = #tpu.core_type<sc_vector_subcore>, window_params = [{transform_indices = #map}, {transform_indices = #map}, {transform_indices = #map}, {transform_indices = #map}, {transform_indices = #map}]} {
    %mul3A = arith.constant 2 : i32
    %mul3A_0 = arith.muli %arg1, %mul3A : i32
    %add3A = arith.addi %mul3A_0, %arg0 : i32
    "tpu.region"() ({
      %run_scoped3A = tpu.sem_alloc : memref<!tpu.dma_semaphore, #tpu.memory_space<semaphore_mem>>
      tpu.enqueue_dma source(%arg3 : memref<64xf32, #tpu.memory_space<hbm>>) target(%arg7 : memref<64xf32, #tpu.memory_space<vmem>>) target_semaphore(%run_scoped3A : memref<!tpu.dma_semaphore, #tpu.memory_space<semaphore_mem>>)
      tpu.wait_dma2 semaphore(%run_scoped3A : memref<!tpu.dma_semaphore, #tpu.memory_space<semaphore_mem>>) src(%arg3 : memref<64xf32, #tpu.memory_space<hbm>>) dst(%arg7 : memref<64xf32, #tpu.memory_space<vmem>>)
      tpu.yield
    }) : () -> ()
    "tpu.region"() ({
      %run_scoped3A = tpu.sem_alloc : memref<!tpu.dma_semaphore, #tpu.memory_space<semaphore_mem>>
      tpu.enqueue_dma source(%arg4 : memref<64xf32, #tpu.memory_space<hbm>>) target(%arg8 : memref<64xf32, #tpu.memory_space<vmem>>) target_semaphore(%run_scoped3A : memref<!tpu.dma_semaphore, #tpu.memory_space<semaphore_mem>>)
      tpu.wait_dma2 semaphore(%run_scoped3A : memref<!tpu.dma_semaphore, #tpu.memory_space<semaphore_mem>>) src(%arg4 : memref<64xf32, #tpu.memory_space<hbm>>) dst(%arg8 : memref<64xf32, #tpu.memory_space<vmem>>)
      tpu.yield
    }) : () -> ()
    %add3A_1 = arith.constant 0 : i32
    %add3A_2 = arith.addi %add3A, %add3A_1 : i32
    %lt3A = arith.constant 250 : i32
    %lt3A_3 = arith.cmpi slt, %add3A_2, %lt3A : i32
    %convert_element_type3A = arith.extui %lt3A_3 : i1 to i32
    %cond3A = arith.constant 0 : i32
    %cond3A_4 = arith.cmpi ne, %convert_element_type3A, %cond3A : i32
    scf.if %cond3A_4 {
      %add3A_141 = arith.constant 0 : i32
      %add3A_142 = arith.addi %add3A_141, %add3A_2 : i32
      %mul3A_143 = arith.constant 16000 : i32
      %mul3A_144 = arith.muli %add3A_142, %mul3A_143 : i32
      %dma_start3A = tpu.memref_slice %arg2[%mul3A_144] : memref<4000000xi32, #tpu.memory_space<hbm>> -> memref<16000xi32, #tpu.memory_space<hbm>>
      %dma_start3A_145 = tpu.memref_slice %arg2[%mul3A_144] : memref<4000000xi32, #tpu.memory_space<hbm>> -> memref<16000xi32, #tpu.memory_space<hbm>>
      tpu.enqueue_dma source(%dma_start3A_145 : memref<16000xi32, #tpu.memory_space<hbm>>) target(%arg9 : memref<16000xi32, #tpu.memory_space<vmem>>) target_semaphore(%arg15 : memref<!tpu.dma_semaphore, #tpu.memory_space<semaphore_mem>>)
    } else {
    }
    %add3A_5 = arith.constant 32 : i32
    %add3A_6 = arith.addi %add3A, %add3A_5 : i32
    %lt3A_7 = arith.constant 250 : i32
    %lt3A_8 = arith.cmpi slt, %add3A_6, %lt3A_7 : i32
    %convert_element_type3A_9 = arith.extui %lt3A_8 : i1 to i32
    %cond3A_10 = arith.constant 0 : i32
    %cond3A_11 = arith.cmpi ne, %convert_element_type3A_9, %cond3A_10 : i32
    scf.if %cond3A_11 {
      %add3A_141 = arith.constant 0 : i32
      %add3A_142 = arith.addi %add3A_141, %add3A_6 : i32
      %mul3A_143 = arith.constant 16000 : i32
      %mul3A_144 = arith.muli %add3A_142, %mul3A_143 : i32
      %dma_start3A = tpu.memref_slice %arg2[%mul3A_144] : memref<4000000xi32, #tpu.memory_space<hbm>> -> memref<16000xi32, #tpu.memory_space<hbm>>
      %dma_start3A_145 = tpu.memref_slice %arg2[%mul3A_144] : memref<4000000xi32, #tpu.memory_space<hbm>> -> memref<16000xi32, #tpu.memory_space<hbm>>
      tpu.enqueue_dma source(%dma_start3A_145 : memref<16000xi32, #tpu.memory_space<hbm>>) target(%arg10 : memref<16000xi32, #tpu.memory_space<vmem>>) target_semaphore(%arg16 : memref<!tpu.dma_semaphore, #tpu.memory_space<semaphore_mem>>)
    } else {
    }
    %scan3A = arith.constant 0 : i32
    %scan3A_12 = arith.constant 0 : i32
    %scan3A_13 = arith.constant 4 : i32
    %scan3A_14 = arith.addi %scan3A_12, %scan3A_13 : i32
    %scan3A_15 = arith.constant 1 : i32
    scf.for %scan3A_141 = %scan3A_12 to %scan3A_14 step %scan3A_15  : i32 {
      %mul3A_142 = arith.constant 2 : i32
      %mul3A_143 = arith.muli %scan3A_141, %mul3A_142 : i32
      %add3A_144 = arith.constant 0 : i32
      %add3A_145 = arith.addi %mul3A_143, %add3A_144 : i32
      %mul3A_146 = arith.constant 32 : i32
      %mul3A_147 = arith.muli %add3A_145, %mul3A_146 : i32
      %add3A_148 = arith.addi %add3A, %mul3A_147 : i32
      %lt3A_149 = arith.constant 250 : i32
      %lt3A_150 = arith.cmpi slt, %add3A_148, %lt3A_149 : i32
      %convert_element_type3A_151 = arith.extui %lt3A_150 : i1 to i32
      %cond3A_152 = arith.constant 0 : i32
      %cond3A_153 = arith.cmpi ne, %convert_element_type3A_151, %cond3A_152 : i32
      scf.if %cond3A_153 {
        %mul3A_166 = arith.constant 16000 : i32
        %mul3A_167 = arith.muli %add3A_148, %mul3A_166 : i32
        %dma_wait3A = tpu.memref_slice %arg2[%mul3A_167] : memref<4000000xi32, #tpu.memory_space<hbm>> -> memref<16000xi32, #tpu.memory_space<hbm>>
        %dma_wait3A_168 = tpu.memref_slice %arg2[%mul3A_167] : memref<4000000xi32, #tpu.memory_space<hbm>> -> memref<16000xi32, #tpu.memory_space<hbm>>
        tpu.wait_dma2 semaphore(%arg15 : memref<!tpu.dma_semaphore, #tpu.memory_space<semaphore_mem>>) src(%dma_wait3A_168 : memref<16000xi32, #tpu.memory_space<hbm>>) dst(%arg9 : memref<16000xi32, #tpu.memory_space<vmem>>)
        %ge3A_169 = arith.constant 2 : i32
        %ge3A_170 = arith.cmpi sge, %add3A_145, %ge3A_169 : i32
        %convert_element_type3A_171 = arith.extui %ge3A_170 : i1 to i32
        %cond3A_172 = arith.constant 0 : i32
        %cond3A_173 = arith.cmpi ne, %convert_element_type3A_171, %cond3A_172 : i32
        scf.if %cond3A_173 {
          %dma_wait3A_189 = tpu.memref_slice %arg5[%mul3A_167] : memref<4000000xf32, #tpu.memory_space<hbm>> -> memref<16000xf32, #tpu.memory_space<hbm>>
          %dma_wait3A_190 = tpu.memref_slice %arg5[%mul3A_167] : memref<4000000xf32, #tpu.memory_space<hbm>> -> memref<16000xf32, #tpu.memory_space<hbm>>
          tpu.wait_dma2 semaphore(%arg17 : memref<!tpu.dma_semaphore, #tpu.memory_space<semaphore_mem>>) src(%arg11 : memref<16000xf32, #tpu.memory_space<vmem>>) dst(%dma_wait3A_190 : memref<16000xf32, #tpu.memory_space<hbm>>)
          %dma_wait3A_191 = tpu.memref_slice %arg6[%mul3A_167] : memref<4000000xf32, #tpu.memory_space<hbm>> -> memref<16000xf32, #tpu.memory_space<hbm>>
          %dma_wait3A_192 = tpu.memref_slice %arg6[%mul3A_167] : memref<4000000xf32, #tpu.memory_space<hbm>> -> memref<16000xf32, #tpu.memory_space<hbm>>
          tpu.wait_dma2 semaphore(%arg17 : memref<!tpu.dma_semaphore, #tpu.memory_space<semaphore_mem>>) src(%arg13 : memref<16000xf32, #tpu.memory_space<vmem>>) dst(%dma_wait3A_192 : memref<16000xf32, #tpu.memory_space<hbm>>)
        } else {
        }
        %parallel_loop3A = arith.constant 0 : i32
        %parallel_loop3A_174 = arith.constant 1000 : i32
        %parallel_loop3A_175 = arith.constant 1 : i32
        scf.for %parallel_loop3A_189 = %parallel_loop3A to %parallel_loop3A_174 step %parallel_loop3A_175  : i32 {
          %parallel_loop3A_190 = arith.constant 16 : i32
          %parallel_loop3A_191 = arith.muli %parallel_loop3A_189, %parallel_loop3A_190 : i32
          %parallel_loop3A_192 = arith.index_cast %parallel_loop3A_191 : i32 to index
          %parallel_loop3A_193 = tpu.vector_load %arg9[%parallel_loop3A_192] {strides = array<i32>} : memref<16000xi32, #tpu.memory_space<vmem>>, vector<16xi32>,
          %parallel_loop3A_194 = tpu.vector_load_idx %arg7[%parallel_loop3A_193] : memref<64xf32, #tpu.memory_space<vmem>>[vector<16xi32>], vector<16xf32>,
          %parallel_loop3A_195 = arith.index_cast %parallel_loop3A_191 : i32 to index
          %parallel_loop3A_196 = tpu.vector_load %arg11[%parallel_loop3A_195] {strides = array<i32>} : memref<16000xf32, #tpu.memory_space<vmem>>, vector<16xf32>,
          tpu.vector_store %arg11[%parallel_loop3A_195], %parallel_loop3A_194 {strides = array<i32>} : memref<16000xf32, #tpu.memory_space<vmem>>, vector<16xf32>,
          %parallel_loop3A_197 = tpu.vector_load_idx %arg8[%parallel_loop3A_193] : memref<64xf32, #tpu.memory_space<vmem>>[vector<16xi32>], vector<16xf32>,
          %parallel_loop3A_198 = arith.index_cast %parallel_loop3A_191 : i32 to index
          %parallel_loop3A_199 = tpu.vector_load %arg13[%parallel_loop3A_198] {strides = array<i32>} : memref<16000xf32, #tpu.memory_space<vmem>>, vector<16xf32>,
          tpu.vector_store %arg13[%parallel_loop3A_198], %parallel_loop3A_197 {strides = array<i32>} : memref<16000xf32, #tpu.memory_space<vmem>>, vector<16xf32>,
        } {sc.loop_unroll_factor = 8 : i64, sc.parallel_access}
        %dma_start3A = tpu.memref_slice %arg5[%mul3A_167] : memref<4000000xf32, #tpu.memory_space<hbm>> -> memref<16000xf32, #tpu.memory_space<hbm>>
        %dma_start3A_176 = tpu.memref_slice %arg5[%mul3A_167] : memref<4000000xf32, #tpu.memory_space<hbm>> -> memref<16000xf32, #tpu.memory_space<hbm>>
        tpu.enqueue_dma source(%arg11 : memref<16000xf32, #tpu.memory_space<vmem>>) target(%dma_start3A_176 : memref<16000xf32, #tpu.memory_space<hbm>>) target_semaphore(%arg17 : memref<!tpu.dma_semaphore, #tpu.memory_space<semaphore_mem>>)
        %dma_start3A_177 = tpu.memref_slice %arg6[%mul3A_167] : memref<4000000xf32, #tpu.memory_space<hbm>> -> memref<16000xf32, #tpu.memory_space<hbm>>
        %dma_start3A_178 = tpu.memref_slice %arg6[%mul3A_167] : memref<4000000xf32, #tpu.memory_space<hbm>> -> memref<16000xf32, #tpu.memory_space<hbm>>
        tpu.enqueue_dma source(%arg13 : memref<16000xf32, #tpu.memory_space<vmem>>) target(%dma_start3A_178 : memref<16000xf32, #tpu.memory_space<hbm>>) target_semaphore(%arg17 : memref<!tpu.dma_semaphore, #tpu.memory_space<semaphore_mem>>)
        %add3A_179 = arith.constant 2 : i32
        %add3A_180 = arith.addi %add3A_145, %add3A_179 : i32
        %mul3A_181 = arith.constant 32 : i32
        %mul3A_182 = arith.muli %add3A_180, %mul3A_181 : i32
        %add3A_183 = arith.addi %add3A, %mul3A_182 : i32
        %lt3A_184 = arith.constant 250 : i32
        %lt3A_185 = arith.cmpi slt, %add3A_183, %lt3A_184 : i32
        %convert_element_type3A_186 = arith.extui %lt3A_185 : i1 to i32
        %cond3A_187 = arith.constant 0 : i32
        %cond3A_188 = arith.cmpi ne, %convert_element_type3A_186, %cond3A_187 : i32
        scf.if %cond3A_188 {
          %add3A_189 = arith.constant 0 : i32
          %add3A_190 = arith.addi %add3A_189, %add3A_183 : i32
          %mul3A_191 = arith.constant 16000 : i32
          %mul3A_192 = arith.muli %add3A_190, %mul3A_191 : i32
          %dma_start3A_193 = tpu.memref_slice %arg2[%mul3A_192] : memref<4000000xi32, #tpu.memory_space<hbm>> -> memref<16000xi32, #tpu.memory_space<hbm>>
          %dma_start3A_194 = tpu.memref_slice %arg2[%mul3A_192] : memref<4000000xi32, #tpu.memory_space<hbm>> -> memref<16000xi32, #tpu.memory_space<hbm>>
          tpu.enqueue_dma source(%dma_start3A_194 : memref<16000xi32, #tpu.memory_space<hbm>>) target(%arg9 : memref<16000xi32, #tpu.memory_space<vmem>>) target_semaphore(%arg15 : memref<!tpu.dma_semaphore, #tpu.memory_space<semaphore_mem>>)
        } else {
        }
      } else {
      }
      %mul3A_154 = arith.constant 2 : i32
      %mul3A_155 = arith.muli %scan3A_141, %mul3A_154 : i32
      %add3A_156 = arith.constant 1 : i32
      %add3A_157 = arith.addi %mul3A_155, %add3A_156 : i32
      %mul3A_158 = arith.constant 32 : i32
      %mul3A_159 = arith.muli %add3A_157, %mul3A_158 : i32
      %add3A_160 = arith.addi %add3A, %mul3A_159 : i32
      %lt3A_161 = arith.constant 250 : i32
      %lt3A_162 = arith.cmpi slt, %add3A_160, %lt3A_161 : i32
      %convert_element_type3A_163 = arith.extui %lt3A_162 : i1 to i32
      %cond3A_164 = arith.constant 0 : i32
      %cond3A_165 = arith.cmpi ne, %convert_element_type3A_163, %cond3A_164 : i32
      scf.if %cond3A_165 {
        %mul3A_166 = arith.constant 16000 : i32
        %mul3A_167 = arith.muli %add3A_160, %mul3A_166 : i32
        %dma_wait3A = tpu.memref_slice %arg2[%mul3A_167] : memref<4000000xi32, #tpu.memory_space<hbm>> -> memref<16000xi32, #tpu.memory_space<hbm>>
        %dma_wait3A_168 = tpu.memref_slice %arg2[%mul3A_167] : memref<4000000xi32, #tpu.memory_space<hbm>> -> memref<16000xi32, #tpu.memory_space<hbm>>
        tpu.wait_dma2 semaphore(%arg16 : memref<!tpu.dma_semaphore, #tpu.memory_space<semaphore_mem>>) src(%dma_wait3A_168 : memref<16000xi32, #tpu.memory_space<hbm>>) dst(%arg10 : memref<16000xi32, #tpu.memory_space<vmem>>)
        %ge3A_169 = arith.constant 2 : i32
        %ge3A_170 = arith.cmpi sge, %add3A_157, %ge3A_169 : i32
        %convert_element_type3A_171 = arith.extui %ge3A_170 : i1 to i32
        %cond3A_172 = arith.constant 0 : i32
        %cond3A_173 = arith.cmpi ne, %convert_element_type3A_171, %cond3A_172 : i32
        scf.if %cond3A_173 {
          %dma_wait3A_189 = tpu.memref_slice %arg5[%mul3A_167] : memref<4000000xf32, #tpu.memory_space<hbm>> -> memref<16000xf32, #tpu.memory_space<hbm>>
          %dma_wait3A_190 = tpu.memref_slice %arg5[%mul3A_167] : memref<4000000xf32, #tpu.memory_space<hbm>> -> memref<16000xf32, #tpu.memory_space<hbm>>
          tpu.wait_dma2 semaphore(%arg18 : memref<!tpu.dma_semaphore, #tpu.memory_space<semaphore_mem>>) src(%arg12 : memref<16000xf32, #tpu.memory_space<vmem>>) dst(%dma_wait3A_190 : memref<16000xf32, #tpu.memory_space<hbm>>)
          %dma_wait3A_191 = tpu.memref_slice %arg6[%mul3A_167] : memref<4000000xf32, #tpu.memory_space<hbm>> -> memref<16000xf32, #tpu.memory_space<hbm>>
          %dma_wait3A_192 = tpu.memref_slice %arg6[%mul3A_167] : memref<4000000xf32, #tpu.memory_space<hbm>> -> memref<16000xf32, #tpu.memory_space<hbm>>
          tpu.wait_dma2 semaphore(%arg18 : memref<!tpu.dma_semaphore, #tpu.memory_space<semaphore_mem>>) src(%arg14 : memref<16000xf32, #tpu.memory_space<vmem>>) dst(%dma_wait3A_192 : memref<16000xf32, #tpu.memory_space<hbm>>)
        } else {
        }
        %parallel_loop3A = arith.constant 0 : i32
        %parallel_loop3A_174 = arith.constant 1000 : i32
        %parallel_loop3A_175 = arith.constant 1 : i32
        scf.for %parallel_loop3A_189 = %parallel_loop3A to %parallel_loop3A_174 step %parallel_loop3A_175  : i32 {
          %parallel_loop3A_190 = arith.constant 16 : i32
          %parallel_loop3A_191 = arith.muli %parallel_loop3A_189, %parallel_loop3A_190 : i32
          %parallel_loop3A_192 = arith.index_cast %parallel_loop3A_191 : i32 to index
          %parallel_loop3A_193 = tpu.vector_load %arg10[%parallel_loop3A_192] {strides = array<i32>} : memref<16000xi32, #tpu.memory_space<vmem>>, vector<16xi32>,
          %parallel_loop3A_194 = tpu.vector_load_idx %arg7[%parallel_loop3A_193] : memref<64xf32, #tpu.memory_space<vmem>>[vector<16xi32>], vector<16xf32>,
          %parallel_loop3A_195 = arith.index_cast %parallel_loop3A_191 : i32 to index
          %parallel_loop3A_196 = tpu.vector_load %arg12[%parallel_loop3A_195] {strides = array<i32>} : memref<16000xf32, #tpu.memory_space<vmem>>, vector<16xf32>,
          tpu.vector_store %arg12[%parallel_loop3A_195], %parallel_loop3A_194 {strides = array<i32>} : memref<16000xf32, #tpu.memory_space<vmem>>, vector<16xf32>,
          %parallel_loop3A_197 = tpu.vector_load_idx %arg8[%parallel_loop3A_193] : memref<64xf32, #tpu.memory_space<vmem>>[vector<16xi32>], vector<16xf32>,
          %parallel_loop3A_198 = arith.index_cast %parallel_loop3A_191 : i32 to index
          %parallel_loop3A_199 = tpu.vector_load %arg14[%parallel_loop3A_198] {strides = array<i32>} : memref<16000xf32, #tpu.memory_space<vmem>>, vector<16xf32>,
          tpu.vector_store %arg14[%parallel_loop3A_198], %parallel_loop3A_197 {strides = array<i32>} : memref<16000xf32, #tpu.memory_space<vmem>>, vector<16xf32>,
        } {sc.loop_unroll_factor = 8 : i64, sc.parallel_access}
        %dma_start3A = tpu.memref_slice %arg5[%mul3A_167] : memref<4000000xf32, #tpu.memory_space<hbm>> -> memref<16000xf32, #tpu.memory_space<hbm>>
        %dma_start3A_176 = tpu.memref_slice %arg5[%mul3A_167] : memref<4000000xf32, #tpu.memory_space<hbm>> -> memref<16000xf32, #tpu.memory_space<hbm>>
        tpu.enqueue_dma source(%arg12 : memref<16000xf32, #tpu.memory_space<vmem>>) target(%dma_start3A_176 : memref<16000xf32, #tpu.memory_space<hbm>>) target_semaphore(%arg18 : memref<!tpu.dma_semaphore, #tpu.memory_space<semaphore_mem>>)
        %dma_start3A_177 = tpu.memref_slice %arg6[%mul3A_167] : memref<4000000xf32, #tpu.memory_space<hbm>> -> memref<16000xf32, #tpu.memory_space<hbm>>
        %dma_start3A_178 = tpu.memref_slice %arg6[%mul3A_167] : memref<4000000xf32, #tpu.memory_space<hbm>> -> memref<16000xf32, #tpu.memory_space<hbm>>
        tpu.enqueue_dma source(%arg14 : memref<16000xf32, #tpu.memory_space<vmem>>) target(%dma_start3A_178 : memref<16000xf32, #tpu.memory_space<hbm>>) target_semaphore(%arg18 : memref<!tpu.dma_semaphore, #tpu.memory_space<semaphore_mem>>)
        %add3A_179 = arith.constant 2 : i32
        %add3A_180 = arith.addi %add3A_157, %add3A_179 : i32
        %mul3A_181 = arith.constant 32 : i32
        %mul3A_182 = arith.muli %add3A_180, %mul3A_181 : i32
        %add3A_183 = arith.addi %add3A, %mul3A_182 : i32
        %lt3A_184 = arith.constant 250 : i32
        %lt3A_185 = arith.cmpi slt, %add3A_183, %lt3A_184 : i32
        %convert_element_type3A_186 = arith.extui %lt3A_185 : i1 to i32
        %cond3A_187 = arith.constant 0 : i32
        %cond3A_188 = arith.cmpi ne, %convert_element_type3A_186, %cond3A_187 : i32
        scf.if %cond3A_188 {
          %add3A_189 = arith.constant 0 : i32
          %add3A_190 = arith.addi %add3A_189, %add3A_183 : i32
          %mul3A_191 = arith.constant 16000 : i32
          %mul3A_192 = arith.muli %add3A_190, %mul3A_191 : i32
          %dma_start3A_193 = tpu.memref_slice %arg2[%mul3A_192] : memref<4000000xi32, #tpu.memory_space<hbm>> -> memref<16000xi32, #tpu.memory_space<hbm>>
          %dma_start3A_194 = tpu.memref_slice %arg2[%mul3A_192] : memref<4000000xi32, #tpu.memory_space<hbm>> -> memref<16000xi32, #tpu.memory_space<hbm>>
          tpu.enqueue_dma source(%dma_start3A_194 : memref<16000xi32, #tpu.memory_space<hbm>>) target(%arg10 : memref<16000xi32, #tpu.memory_space<vmem>>) target_semaphore(%arg16 : memref<!tpu.dma_semaphore, #tpu.memory_space<semaphore_mem>>)
        } else {
        }
      } else {
      }
    }
    %scan3A_16 = arith.constant 4 : i32
    %sub3A = arith.constant 250 : i32
    %sub3A_17 = arith.subi %sub3A, %add3A : i32
    %add3A_18 = arith.constant 32 : i32
    %add3A_19 = arith.addi %sub3A_17, %add3A_18 : i32
    %sub3A_20 = arith.constant 1 : i32
    %sub3A_21 = arith.subi %add3A_19, %sub3A_20 : i32
    %jit3A = arith.constant 32 : i32
    %div3A = arith.divsi %sub3A_21, %jit3A : i32
    %sign3A = arith.constant 0 : i32
    %sign3A_22 = arith.cmpi sgt, %sub3A_21, %sign3A : i32
    %sign3A_23 = arith.extui %sign3A_22 : i1 to i32
    %sign3A_24 = arith.constant 0 : i32
    %sign3A_25 = arith.cmpi slt, %sub3A_21, %sign3A_24 : i32
    %sign3A_26 = arith.extui %sign3A_25 : i1 to i32
    %sign3A_27 = arith.subi %sign3A_23, %sign3A_26 : i32
    %sign3A_28 = arith.constant 0 : i32
    %sign3A_29 = arith.cmpi sgt, %jit3A, %sign3A_28 : i32
    %sign3A_30 = arith.extui %sign3A_29 : i1 to i32
    %sign3A_31 = arith.constant 0 : i32
    %sign3A_32 = arith.cmpi slt, %jit3A, %sign3A_31 : i32
    %sign3A_33 = arith.extui %sign3A_32 : i1 to i32
    %sign3A_34 = arith.subi %sign3A_30, %sign3A_33 : i32
    %ne3A = arith.cmpi ne, %sign3A_27, %sign3A_34 : i32
    %rem3A = arith.remsi %sub3A_21, %jit3A : i32
    %ne3A_35 = arith.constant 0 : i32
    %ne3A_36 = arith.cmpi ne, %rem3A, %ne3A_35 : i32
    %and3A = arith.andi %ne3A, %ne3A_36 : i1
    %sub3A_37 = arith.constant 1 : i32
    %sub3A_38 = arith.subi %div3A, %sub3A_37 : i32
    %select_n3A = arith.select %and3A, %sub3A_38, %div3A : i32
    %sub3A_39 = arith.constant 1 : i32
    %sub3A_40 = arith.subi %select_n3A, %sub3A_39 : i32
    %ge3A = arith.constant 0 : i32
    %ge3A_41 = arith.cmpi sge, %sub3A_40, %ge3A : i32
    %jit3A_42 = arith.constant 2 : i32
    %eq3A = arith.constant 0 : i32
    %eq3A_43 = arith.cmpi eq, %jit3A_42, %eq3A : i32
    %jit3A_44 = arith.constant 1 : i32
    %select_n3A_45 = arith.select %eq3A_43, %jit3A_44, %jit3A_42 : i32
    %rem3A_46 = arith.remsi %sub3A_40, %select_n3A_45 : i32
    %ne3A_47 = arith.constant 0 : i32
    %ne3A_48 = arith.cmpi ne, %rem3A_46, %ne3A_47 : i32
    %lt3A_49 = arith.constant 0 : i32
    %lt3A_50 = arith.cmpi slt, %rem3A_46, %lt3A_49 : i32
    %lt3A_51 = arith.constant 0 : i32
    %lt3A_52 = arith.cmpi slt, %select_n3A_45, %lt3A_51 : i32
    %ne3A_53 = arith.xori %lt3A_50, %lt3A_52 : i1
    %and3A_54 = arith.andi %ne3A_53, %ne3A_48 : i1
    %add3A_55 = arith.addi %rem3A_46, %select_n3A_45 : i32
    %select_n3A_56 = arith.select %and3A_54, %add3A_55, %rem3A_46 : i32
    %eq3A_57 = arith.constant 0 : i32
    %eq3A_58 = arith.cmpi eq, %select_n3A_56, %eq3A_57 : i32
    %and3A_59 = arith.andi %ge3A_41, %eq3A_58 : i1
    %convert_element_type3A_60 = arith.extui %and3A_59 : i1 to i32
    %cond3A_61 = arith.constant 0 : i32
    %cond3A_62 = arith.cmpi ne, %convert_element_type3A_60, %cond3A_61 : i32
    scf.if %cond3A_62 {
      %dma_wait3A = arith.constant 0 : i32
      %dma_wait3A_141 = tpu.memref_slice %arg5[%dma_wait3A] : memref<4000000xf32, #tpu.memory_space<hbm>> -> memref<16000xf32, #tpu.memory_space<hbm>>
      %dma_wait3A_142 = arith.constant 0 : i32
      %dma_wait3A_143 = tpu.memref_slice %arg5[%dma_wait3A_142] : memref<4000000xf32, #tpu.memory_space<hbm>> -> memref<16000xf32, #tpu.memory_space<hbm>>
      tpu.wait_dma2 semaphore(%arg17 : memref<!tpu.dma_semaphore, #tpu.memory_space<semaphore_mem>>) src(%arg11 : memref<16000xf32, #tpu.memory_space<vmem>>) dst(%dma_wait3A_143 : memref<16000xf32, #tpu.memory_space<hbm>>)
      %dma_wait3A_144 = arith.constant 0 : i32
      %dma_wait3A_145 = tpu.memref_slice %arg6[%dma_wait3A_144] : memref<4000000xf32, #tpu.memory_space<hbm>> -> memref<16000xf32, #tpu.memory_space<hbm>>
      %dma_wait3A_146 = arith.constant 0 : i32
      %dma_wait3A_147 = tpu.memref_slice %arg6[%dma_wait3A_146] : memref<4000000xf32, #tpu.memory_space<hbm>> -> memref<16000xf32, #tpu.memory_space<hbm>>
      tpu.wait_dma2 semaphore(%arg17 : memref<!tpu.dma_semaphore, #tpu.memory_space<semaphore_mem>>) src(%arg13 : memref<16000xf32, #tpu.memory_space<vmem>>) dst(%dma_wait3A_147 : memref<16000xf32, #tpu.memory_space<hbm>>)
    } else {
    }
    %sub3A_63 = arith.constant 2 : i32
    %sub3A_64 = arith.subi %select_n3A, %sub3A_63 : i32
    %ge3A_65 = arith.constant 0 : i32
    %ge3A_66 = arith.cmpi sge, %sub3A_64, %ge3A_65 : i32
    %jit3A_67 = arith.constant 2 : i32
    %eq3A_68 = arith.constant 0 : i32
    %eq3A_69 = arith.cmpi eq, %jit3A_67, %eq3A_68 : i32
    %jit3A_70 = arith.constant 1 : i32
    %select_n3A_71 = arith.select %eq3A_69, %jit3A_70, %jit3A_67 : i32
    %rem3A_72 = arith.remsi %sub3A_64, %select_n3A_71 : i32
    %ne3A_73 = arith.constant 0 : i32
    %ne3A_74 = arith.cmpi ne, %rem3A_72, %ne3A_73 : i32
    %lt3A_75 = arith.constant 0 : i32
    %lt3A_76 = arith.cmpi slt, %rem3A_72, %lt3A_75 : i32
    %lt3A_77 = arith.constant 0 : i32
    %lt3A_78 = arith.cmpi slt, %select_n3A_71, %lt3A_77 : i32
    %ne3A_79 = arith.xori %lt3A_76, %lt3A_78 : i1
    %and3A_80 = arith.andi %ne3A_79, %ne3A_74 : i1
    %add3A_81 = arith.addi %rem3A_72, %select_n3A_71 : i32
    %select_n3A_82 = arith.select %and3A_80, %add3A_81, %rem3A_72 : i32
    %eq3A_83 = arith.constant 0 : i32
    %eq3A_84 = arith.cmpi eq, %select_n3A_82, %eq3A_83 : i32
    %and3A_85 = arith.andi %ge3A_66, %eq3A_84 : i1
    %convert_element_type3A_86 = arith.extui %and3A_85 : i1 to i32
    %cond3A_87 = arith.constant 0 : i32
    %cond3A_88 = arith.cmpi ne, %convert_element_type3A_86, %cond3A_87 : i32
    scf.if %cond3A_88 {
      %dma_wait3A = arith.constant 0 : i32
      %dma_wait3A_141 = tpu.memref_slice %arg5[%dma_wait3A] : memref<4000000xf32, #tpu.memory_space<hbm>> -> memref<16000xf32, #tpu.memory_space<hbm>>
      %dma_wait3A_142 = arith.constant 0 : i32
      %dma_wait3A_143 = tpu.memref_slice %arg5[%dma_wait3A_142] : memref<4000000xf32, #tpu.memory_space<hbm>> -> memref<16000xf32, #tpu.memory_space<hbm>>
      tpu.wait_dma2 semaphore(%arg17 : memref<!tpu.dma_semaphore, #tpu.memory_space<semaphore_mem>>) src(%arg11 : memref<16000xf32, #tpu.memory_space<vmem>>) dst(%dma_wait3A_143 : memref<16000xf32, #tpu.memory_space<hbm>>)
      %dma_wait3A_144 = arith.constant 0 : i32
      %dma_wait3A_145 = tpu.memref_slice %arg6[%dma_wait3A_144] : memref<4000000xf32, #tpu.memory_space<hbm>> -> memref<16000xf32, #tpu.memory_space<hbm>>
      %dma_wait3A_146 = arith.constant 0 : i32
      %dma_wait3A_147 = tpu.memref_slice %arg6[%dma_wait3A_146] : memref<4000000xf32, #tpu.memory_space<hbm>> -> memref<16000xf32, #tpu.memory_space<hbm>>
      tpu.wait_dma2 semaphore(%arg17 : memref<!tpu.dma_semaphore, #tpu.memory_space<semaphore_mem>>) src(%arg13 : memref<16000xf32, #tpu.memory_space<vmem>>) dst(%dma_wait3A_147 : memref<16000xf32, #tpu.memory_space<hbm>>)
    } else {
    }
    %sub3A_89 = arith.constant 1 : i32
    %sub3A_90 = arith.subi %select_n3A, %sub3A_89 : i32
    %ge3A_91 = arith.constant 0 : i32
    %ge3A_92 = arith.cmpi sge, %sub3A_90, %ge3A_91 : i32
    %jit3A_93 = arith.constant 2 : i32
    %eq3A_94 = arith.constant 0 : i32
    %eq3A_95 = arith.cmpi eq, %jit3A_93, %eq3A_94 : i32
    %jit3A_96 = arith.constant 1 : i32
    %select_n3A_97 = arith.select %eq3A_95, %jit3A_96, %jit3A_93 : i32
    %rem3A_98 = arith.remsi %sub3A_90, %select_n3A_97 : i32
    %ne3A_99 = arith.constant 0 : i32
    %ne3A_100 = arith.cmpi ne, %rem3A_98, %ne3A_99 : i32
    %lt3A_101 = arith.constant 0 : i32
    %lt3A_102 = arith.cmpi slt, %rem3A_98, %lt3A_101 : i32
    %lt3A_103 = arith.constant 0 : i32
    %lt3A_104 = arith.cmpi slt, %select_n3A_97, %lt3A_103 : i32
    %ne3A_105 = arith.xori %lt3A_102, %lt3A_104 : i1
    %and3A_106 = arith.andi %ne3A_105, %ne3A_100 : i1
    %add3A_107 = arith.addi %rem3A_98, %select_n3A_97 : i32
    %select_n3A_108 = arith.select %and3A_106, %add3A_107, %rem3A_98 : i32
    %eq3A_109 = arith.constant 1 : i32
    %eq3A_110 = arith.cmpi eq, %select_n3A_108, %eq3A_109 : i32
    %and3A_111 = arith.andi %ge3A_92, %eq3A_110 : i1
    %convert_element_type3A_112 = arith.extui %and3A_111 : i1 to i32
    %cond3A_113 = arith.constant 0 : i32
    %cond3A_114 = arith.cmpi ne, %convert_element_type3A_112, %cond3A_113 : i32
    scf.if %cond3A_114 {
      %dma_wait3A = arith.constant 0 : i32
      %dma_wait3A_141 = tpu.memref_slice %arg5[%dma_wait3A] : memref<4000000xf32, #tpu.memory_space<hbm>> -> memref<16000xf32, #tpu.memory_space<hbm>>
      %dma_wait3A_142 = arith.constant 0 : i32
      %dma_wait3A_143 = tpu.memref_slice %arg5[%dma_wait3A_142] : memref<4000000xf32, #tpu.memory_space<hbm>> -> memref<16000xf32, #tpu.memory_space<hbm>>
      tpu.wait_dma2 semaphore(%arg18 : memref<!tpu.dma_semaphore, #tpu.memory_space<semaphore_mem>>) src(%arg12 : memref<16000xf32, #tpu.memory_space<vmem>>) dst(%dma_wait3A_143 : memref<16000xf32, #tpu.memory_space<hbm>>)
      %dma_wait3A_144 = arith.constant 0 : i32
      %dma_wait3A_145 = tpu.memref_slice %arg6[%dma_wait3A_144] : memref<4000000xf32, #tpu.memory_space<hbm>> -> memref<16000xf32, #tpu.memory_space<hbm>>
      %dma_wait3A_146 = arith.constant 0 : i32
      %dma_wait3A_147 = tpu.memref_slice %arg6[%dma_wait3A_146] : memref<4000000xf32, #tpu.memory_space<hbm>> -> memref<16000xf32, #tpu.memory_space<hbm>>
      tpu.wait_dma2 semaphore(%arg18 : memref<!tpu.dma_semaphore, #tpu.memory_space<semaphore_mem>>) src(%arg14 : memref<16000xf32, #tpu.memory_space<vmem>>) dst(%dma_wait3A_147 : memref<16000xf32, #tpu.memory_space<hbm>>)
    } else {
    }
    %sub3A_115 = arith.constant 2 : i32
    %sub3A_116 = arith.subi %select_n3A, %sub3A_115 : i32
    %ge3A_117 = arith.constant 0 : i32
    %ge3A_118 = arith.cmpi sge, %sub3A_116, %ge3A_117 : i32
    %jit3A_119 = arith.constant 2 : i32
    %eq3A_120 = arith.constant 0 : i32
    %eq3A_121 = arith.cmpi eq, %jit3A_119, %eq3A_120 : i32
    %jit3A_122 = arith.constant 1 : i32
    %select_n3A_123 = arith.select %eq3A_121, %jit3A_122, %jit3A_119 : i32
    %rem3A_124 = arith.remsi %sub3A_116, %select_n3A_123 : i32
    %ne3A_125 = arith.constant 0 : i32
    %ne3A_126 = arith.cmpi ne, %rem3A_124, %ne3A_125 : i32
    %lt3A_127 = arith.constant 0 : i32
    %lt3A_128 = arith.cmpi slt, %rem3A_124, %lt3A_127 : i32
    %lt3A_129 = arith.constant 0 : i32
    %lt3A_130 = arith.cmpi slt, %select_n3A_123, %lt3A_129 : i32
    %ne3A_131 = arith.xori %lt3A_128, %lt3A_130 : i1
    %and3A_132 = arith.andi %ne3A_131, %ne3A_126 : i1
    %add3A_133 = arith.addi %rem3A_124, %select_n3A_123 : i32
    %select_n3A_134 = arith.select %and3A_132, %add3A_133, %rem3A_124 : i32
    %eq3A_135 = arith.constant 1 : i32
    %eq3A_136 = arith.cmpi eq, %select_n3A_134, %eq3A_135 : i32
    %and3A_137 = arith.andi %ge3A_118, %eq3A_136 : i1
    %convert_element_type3A_138 = arith.extui %and3A_137 : i1 to i32
    %cond3A_139 = arith.constant 0 : i32
    %cond3A_140 = arith.cmpi ne, %convert_element_type3A_138, %cond3A_139 : i32
    scf.if %cond3A_140 {
      %dma_wait3A = arith.constant 0 : i32
      %dma_wait3A_141 = tpu.memref_slice %arg5[%dma_wait3A] : memref<4000000xf32, #tpu.memory_space<hbm>> -> memref<16000xf32, #tpu.memory_space<hbm>>
      %dma_wait3A_142 = arith.constant 0 : i32
      %dma_wait3A_143 = tpu.memref_slice %arg5[%dma_wait3A_142] : memref<4000000xf32, #tpu.memory_space<hbm>> -> memref<16000xf32, #tpu.memory_space<hbm>>
      tpu.wait_dma2 semaphore(%arg18 : memref<!tpu.dma_semaphore, #tpu.memory_space<semaphore_mem>>) src(%arg12 : memref<16000xf32, #tpu.memory_space<vmem>>) dst(%dma_wait3A_143 : memref<16000xf32, #tpu.memory_space<hbm>>)
      %dma_wait3A_144 = arith.constant 0 : i32
      %dma_wait3A_145 = tpu.memref_slice %arg6[%dma_wait3A_144] : memref<4000000xf32, #tpu.memory_space<hbm>> -> memref<16000xf32, #tpu.memory_space<hbm>>
      %dma_wait3A_146 = arith.constant 0 : i32
      %dma_wait3A_147 = tpu.memref_slice %arg6[%dma_wait3A_146] : memref<4000000xf32, #tpu.memory_space<hbm>> -> memref<16000xf32, #tpu.memory_space<hbm>>
      tpu.wait_dma2 semaphore(%arg18 : memref<!tpu.dma_semaphore, #tpu.memory_space<semaphore_mem>>) src(%arg14 : memref<16000xf32, #tpu.memory_space<vmem>>) dst(%dma_wait3A_147 : memref<16000xf32, #tpu.memory_space<hbm>>)
    } else {
    }
    return
  }
}

</mosaic_0001>

<sc_bundles>
// kernel: kernel.3.cloned.1.call-start
scs
__scs_entry_jumppad:
0x0: {  	(pc) =	sbr.rel $0x88, $3  }
0x1: {  	(tag) =	ssettag $0x0;
	lr =	simm.s32 $0x1  }
0x2: {  	[smem:$0x3F9D] =	sst lr;
	_ =	strace $0xD0000000  }
0x3: {  	_ = 	snop  }
0x4: {  	_ = 	snop  }
0x5: {  	_ = 	snop  }
0x6: {  	_ = 	snop  }
0x7: {  	_ = 	snop  }
__scs_overlays_trampoline_lowered:
0x8: {  	[smem:$0x3FAC] =	sst s0  }
0x9: {  	[smem:$0x3FAD] =	sst s1  }
0xa: {  	[smem:$0x3FAE] =	sst s2  }
0xb: {  	[smem:$0x3FAF] =	sst s3  }
0xc: {  	[smem:$0x3FB0] =	sst s4  }
0xd: {  	[smem:$0x3FB1] =	sst s5  }
0xe: {  	[smem:$0x3FB2] =	sst s6  }
0xf: {  	[smem:$0x3FB3] =	sst s7  }
0x10: {  	[smem:$0x3FB4] =	sst s8  }
0x11: {  	[smem:$0x3FB5] =	sst s9;
	s0 =	simm.s32 @!p0 $0x0  }
0x12: {  	s1 =	sld [smem:$0x3F9B];
	s0 =	simm.s32 @p0 $0x1  }
0x13: {  	[smem:$0x3FB6] =	sst s0;
	s0 =	simm.s32 @!p1 $0x0  }
0x14: {  	s2 =	sld [smem:$0x3F9A];
	s0 =	simm.s32 @p1 $0x1  }
0x15: {  	[smem:$0x3FB7] =	sst s0;
	s0 =	simm.s32 @!p2 $0x0  }
0x16: {  	s3 =	sld [smem:$0x3FDB];
	s0 =	simm.s32 @p2 $0x1  }
0x17: {  	s4 =	simm.s32 $0x1BF5;
	[smem:$0x3FB9] =	sst s0  }
0x18: {  	s0 =	sld [smem:$0x3F9C];
	_ =	swait.ge [sflag:s4], $0x0  }
0x19: {  	s7 =	sld [smem:$0x3F9D]  }
0x1a: {  	s8 =	sadd.s32 $0xFFFFE003, lr  }
0x1b: {  	s9 =	sadd.s32 $0xFFFFFEF7, lr;
	s5 =	simm.s32 $0xFFFFFFFF;
	p2 =	slt.u32 s8, $0xFFFFF086  }
0x1c: {  	p1 =	slt.u32 s9, $0xF7A;
	s5 =	simm.s32 @!p2 $0x0  }
0x1d: {  	s5 =	simm.s32 @p1 $0x1;
	p0 =	seq.s32 s7, s2  }
0x1e: {  	s7 =	smul.u32 @!p0 $0xF7A, s2;
	p2 =	seq.s32 @!p0 s5, $0x0  }
0x1f: {  	s9 =	smul.u32 $0xF7A, s1;
	s8 =	simm.s32 @!p0 $0x1BF5;
	p2 =	por !p2, p0  }
0x20: {  	[sflag:s8] =	ssyncset.s32 @!p0 $0xFFFFF086;
	s6 =	sadd.s32 @!p0 s3, s7;
	s7 =	simm.s32 @!p0 $0x108  }
0x21: {  	s3 =	sadd.s32 s3, s9;
	s6 =	sadd.s32 @!p0 $0x88, s6;
	s7 =	simm.s32 @p2 $0x1082  }
0x22: {  	[simem:s7], [sflag:s8] =	dma.local @!p0 [hbm:s6], $0xF7A  }
0x23: {  	s9 =	sor.u32 $0xD0000000, s2;
	s6 =	simm.s32 $0x108;
	_ =	swait.ge @!p0 [sflag:s8], $0x0  }
0x24: {  	s3 =	sadd.s32 $0x88, s3;
	s6 =	simm.s32 @!p1 $0x1082;
	[sflag:s4] =	ssyncset.s32 $0xFFFFF086  }
0x25: {  	[simem:s6], [sflag:s4] =	dma.local [hbm:s3], $0xF7A  }
0x26: {  	[smem:$0x3F9D] =	sst s1;
	(tag) =	ssettag s2;
	_ =	strace s9  }
0x27: {  	s1 =	sld [smem:$0x3FAD]  }
0x28: {  	s2 =	sld [smem:$0x3FAE]  }
0x29: {  	s4 =	sld [smem:$0x3FB0]  }
0x2a: {  	p0 =	seq.s32 s5, $0x0;
	s5 =	sld [smem:$0x3FB1]  }
0x2b: {  	s6 =	sld [smem:$0x3FB2]  }
0x2c: {  	s7 =	sld [smem:$0x3FB3]  }
0x2d: {  	s3 =	simm.s32 $0x108;
	s8 =	sld [smem:$0x3FB4]  }
0x2e: {  	s3 =	simm.s32 @!p0 $0x1082;
	s9 =	sld [smem:$0x3FB5]  }
0x2f: {  	lr =	sadd.s32 s0, s3;
	s0 =	sld [smem:$0x3FAC]  }
0x30: {  	s3 =	sld [smem:$0x3FAF]  }
0x31: {  	[smem:$0x3FB8] =	sst s10  }
0x32: {  	s10 =	sld [smem:$0x3FB6];
	_ =	sdelay $0x3  }
0x33: {  	p0 =	seq.s32 s10, $0x1;
	s10 =	sld [smem:$0x3FB8];
	_ =	sdelay $0x3  }
0x34: {  	[smem:$0x3FB8] =	sst s10  }
0x35: {  	s10 =	sld [smem:$0x3FB7];
	_ =	sdelay $0x3  }
0x36: {  	p1 =	seq.s32 s10, $0x1;
	s10 =	sld [smem:$0x3FB8];
	_ =	sdelay $0x3  }
0x37: {  	[smem:$0x3FB8] =	sst s10  }
0x38: {  	s10 =	sld [smem:$0x3FB9]  }
0x39: {  	_ = 	snop;
	(pc) =	sbr.ind lr, $3  }
0x3a: {  	_ = 	snop  }
0x3b: {  	_ = 	snop  }
0x3c: {  	p2 =	seq.s32 s10, $0x1;
	s10 =	sld [smem:$0x3FB8]  }
0x3d: {  	_ =	shalt  }
0x3e: {  	_ =	shalt  }
0x3f: {  	_ =	shalt  }
0x40: {  	_ =	shalt  }
0x41: {  	_ =	shalt  }
0x42: {  	_ =	shalt  }
0x43: {  	_ =	shalt  }
0x44: {  	_ =	shalt  }
0x45: {  	_ =	shalt  }
0x46: {  	_ =	shalt  }
0x47: {  	_ =	shalt  }
0x48: {  	_ =	shalt  }
0x49: {  	_ =	shalt  }
0x4a: {  	_ =	shalt  }
0x4b: {  	_ =	shalt  }
0x4c: {  	_ =	shalt  }
0x4d: {  	_ =	shalt  }
0x4e: {  	_ =	shalt  }
0x4f: {  	_ =	shalt  }
0x50: {  	_ =	shalt  }
0x51: {  	_ =	shalt  }
0x52: {  	_ =	shalt  }
0x53: {  	_ =	shalt  }
0x54: {  	_ =	shalt  }
0x55: {  	_ =	shalt  }
0x56: {  	_ =	shalt  }
0x57: {  	_ =	shalt  }
0x58: {  	_ =	shalt  }
0x59: {  	_ =	shalt  }
0x5a: {  	_ =	shalt  }
0x5b: {  	_ =	shalt  }
0x5c: {  	_ =	shalt  }
0x5d: {  	_ =	shalt  }
0x5e: {  	_ =	shalt  }
0x5f: {  	_ =	shalt  }
0x60: {  	_ =	shalt  }
0x61: {  	_ =	shalt  }
0x62: {  	_ =	shalt  }
0x63: {  	_ =	shalt  }
0x64: {  	_ =	shalt  }
0x65: {  	_ =	shalt  }
0x66: {  	_ =	shalt  }
0x67: {  	_ =	shalt  }
0x68: {  	_ =	shalt  }
0x69: {  	_ =	shalt  }
0x6a: {  	_ =	shalt  }
0x6b: {  	_ =	shalt  }
0x6c: {  	_ =	shalt  }
0x6d: {  	_ =	shalt  }
0x6e: {  	_ =	shalt  }
0x6f: {  	_ =	shalt  }
0x70: {  	_ =	shalt  }
0x71: {  	_ =	shalt  }
0x72: {  	_ =	shalt  }
0x73: {  	_ =	shalt  }
0x74: {  	_ =	shalt  }
0x75: {  	_ =	shalt  }
0x76: {  	_ =	shalt  }
0x77: {  	_ =	shalt  }
0x78: {  	_ =	shalt  }
0x79: {  	_ =	shalt  }
0x7a: {  	_ =	shalt  }
0x7b: {  	_ =	shalt  }
0x7c: {  	_ =	shalt  }
0x7d: {  	_ =	shalt  }
0x7e: {  	_ =	shalt  }
0x7f: {  	_ =	shalt  }
0x80: {  	_ =	shalt  }
0x81: {  	_ =	shalt  }
0x82: {  	_ =	shalt  }
0x83: {  	_ =	shalt  }
0x84: {  	_ =	shalt  }
0x85: {  	_ =	shalt  }
0x86: {  	_ =	shalt  }
0x87: {  	_ =	shalt  }
.Lfunc_end0:
.L_simem_size_0:
called_computation_lowered:
.L_overlay_start_0:
0x88: {  	s2 =	sld [smem:$0x3FD9]  }
0x89: {  	s3 =	sld [smem:$0x3FFE];
	_ =	sdelay $0x1  }
0x8a: {  	s1 =	srdreg.scid  }
0x8b: {  	s0 =	sand.u32 $0x1, s1  }
0x8c: {  	s17 =	sshll.u32 s0, $0xA;
	s2 =	sadd.s32 s3, s2  }
0x8d: {  	s2 =	sadd.s32 s2, s17  }
0x8e: {  	[smem:$0x3FC4] =	sst s2  }
0x8f: {  	_ = 	snop  }
0x90: {  	s2 =	sld [smem:$0x3FC8]  }
0x91: {  	s18 =	sld [smem:$0x3FC7]  }
0x92: {  	s4 =	sld [smem:$0x3FC6];
	(tm) =	ssettm $0x1  }
0x93: {  	s5 =	sld [smem:$0x3FFB];
	_ =	sdelay $0x3  }
0x94: {  	_ =	strace s5  }
0x95: {  	s5 =	sld [smem:$0x3FFC];
	_ =	sdelay $0x3  }
0x96: {  	_ =	strace s5  }
0x97: {  	s5 =	sld [smem:$0x3FFD];
	_ =	sdelay $0x3  }
0x98: {  	_ =	strace s5  }
0x99: {  	_ =	strace $0x8FFFFFFF  }
0x9a: {  	s19 =	sld [smem:$0x3FDB];
	_ =	sdelay $0x1  }
0x9b: {  	s6 =	simm.s32 $_scs_section_size  }
0x9c: {  	s7 =	simm.s32 $_size__tile_overlayer_lowered;
	s8 =	simm.s32 $_tile_overlayer_lowered  }
0x9d: {  	s22 =	simm.s32 $0x1BFF;
	s21 =	sshll.u32 s8, $0x1;
	s5 =	sadd.s32 s6, s19  }
0x9e: {  	s9 =	simm.s32 $0x0;
	s20 =	sshll.u32 s7, $0x1;
	s7 =	sadd.s32 s21, s5  }
0x9f: {  	[timem:s9], [sflag:s22] =	dma.local [hbm:s7], s20  }
0xa0: {  	_ =	swait.ge [sflag:s22], s20  }
0xa1: {  	s6 =	ssub.s32 $0x0, s20;
	[sflag:s22] =	ssyncset.done $0x0  }
0xa2: {  	[sflag:s22] =	ssyncadd.s32 s6;
	_ =	sdelay $0x1  }
0xa3: {  	s23 =	simm.s32 $0x1B8B  }
0xa4: {  	_ =	swait.ge [sflag:s23], $0x1  }
0xa5: {  	[sflag:s23] =	ssyncset.done $0x0  }
0xa6: {  	s25 =	simm.s32 $0x1B8E;
	s24 =	sld [smem:$0x3FFE];
	[sflag:s23] =	ssyncadd.s32 $0xFFFFFFFF  }
0xa7: {  	s26 =	simm.s32 $execute0_lowered;
	[smem:$0x3FD2] =	sst s25  }
0xa8: {  	s7 =	sshll.u32 s26, $0x1;
	_ =	strace $0x80000046;
	[dreg:$0x1] =	wrdreg $0xFFFFFFFF  }
0xa9: {  	s28 =	simm.s32 $_size_execute0_lowered;
	s5 =	sadd.s32 s5, s7;
	[dreg:$0x0] =	wrdreg $0x0  }
0xaa: {  	s7 =	sshll.u32 s28, $0x1;
	[dreg:$0x2] =	wrdreg s5  }
0xab: {  	[dreg:$0x3] =	wrdreg s7  }
0xac: {  	[dreg:$0x4] =	wrdreg $0xC0  }
0xad: {  	_ =	task [dreg:s9], $0x5FFFF  }
0xae: {  	[dreg:$0x1] =	wrdreg $0xFFFFFFFF  }
0xaf: {  	[dreg:$0x0] =	wrdreg $0x60  }
0xb0: {  	[dreg:$0x2] =	wrdreg s2  }
0xb1: {  	[dreg:$0x3] =	wrdreg s18  }
0xb2: {  	[dreg:$0x4] =	wrdreg s4  }
0xb3: {  	[dreg:$0x5] =	wrdreg s24  }
0xb4: {  	[dreg:$0x6] =	wrdreg $0x9  }
0xb5: {  	_ =	task.clear_ibuf [dreg:s9], $0x7FFFF;
	_ =	strace $0x90000046  }
0xb6: {  	s29 =	simm.s32 $0x9;
	_ =	strace $0x80000048  }
0xb7: {  	_ =	swait.ge [sflag:s29], $0x1  }
0xb8: {  	[sflag:s29] =	ssyncadd.s32 $0xFFFFFFFF  }
0xb9: {  	_ =	strace $0x90000048  }
0xba: {  	_ =	sfence  }
0xbb: {  	s30 =	sld [smem:$0x0];
	_ =	sdelay $0x2  }
0xbc: {  	s31 =	sshll.u32 s1, $0xD;
	s1 =	sshrl.u32 s1, $0x2  }
0xbd: {  	s3 =	sand.u32 $0x4000, s31;
	s1 =	sadd.s32 s1, s30  }
0xbe: {  	s0 =	sor.u32 s3, s0;
	s1 =	sshll.u32 s1, $0x11  }
0xbf: {  	s0 =	sor.u32 s1, s0  }
0xc0: {  	s0 =	sadd.s32 $0x8F2B, s0  }
0xc1: {  	[sflag:s0] =	ssyncadd.remote.s32 $0x1  }
0xc2: {  	_ =	sfence.sel $0xFFFF  }
0xc3: {  	[dreg:$0x0] =	wrdreg $0xFFFFFFFF;
	(pc) =	sbr.abs _section_cstart, $3  }
0xc4: {  	[dreg:$0x1] =	wrdreg $0xFFFFFFFF  }
0xc5: {  	_ =	task.clear_ibuf [dreg:s9], $0x2FFFF;
	_ =	strace $0x9FFFFFFF  }
0xc6: {  	(tm) =	ssettm $0x7FFFFFFF  }
0xc7: {  	_ =	shalt  }
tec
execute0_lowered:
.L_overlay_start_1:
0x0: {  	(tag) =	ssettag $0x1  }
0x1: {  	s1 =	rddreg [dreg:$0x0]  }
0x2: {  	s4 =	rddreg [dreg:$0x2];
	s0 =	srdreg.scid  }
0x3: {  	s3 =	stileid.u32;
	s2 =	rddreg [dreg:$0x3];
	s5 =	simm.s32 $0x0  }
0x4: {  	s14 =	simm.s32 $0x5;
	s15 =	simm.s32 $0x80;
	s16 =	simm.s32 $0x100  }
0x5: {  	s17 =	simm.s32 $0x3F80;
	s18 =	simm.s32 $0x1;
	s19 =	simm.s32 $0x7E00  }
0x6: {  	s20 =	simm.s32 $0xFB00;
	s21 =	simm.s32 $0x2;
	s22 =	simm.s32 $0xBC80  }
0x7: {  	s23 =	simm.s32 $0x13980;
	s0 =	sand.u32 $0x1, s0;
	s3 =	sshll.u32 s3, $0x1  }
0x8: {  	s24 =	simm.s32 $0x3;
	s25 =	simm.s32 $0x4;
	s6 =	sor.u32 s0, s3  }
0x9: {  	s26 =	simm.s32 $0x0;
	[smem:$0x7FF] =	sst s5;
	s3 =	smul.u32 $0x3E80, s6  }
.Ltmp0:
0xa: {  	s7 =	sadd.s32 $0xA00, s2;
	s0 =	ssub.s32 $0x2, s0;
	(pc) =	sbr.rel .LBB2_1-.Ltmp0, $4  }
0xb: {  	s8 =	sadd.s32 $0x7AC00, s2;
	_ =	strace $0x80000047;
	s9 =	sshrl.u32 s0, $0x1  }
0xc: {  	s10 =	smul.u32 $0x7D0, s6;
	s11 =	sor.u32 $0x40, s6;
	s3 =	sshrl.u32 s3, $0x3  }
0xd: {  	s12 =	sor.u32 $0x60, s6;
	s0 =	ssub.s32 s0, s9;
	s31 =	sadd.s32 s1, s3  }
0xe: {  	s9 =	sadd.s32 s1, s10;
	s13 =	smax.u32 s0, $0x1;
	s10 =	sadd.s32 $0xFA00, s31  }
.LBB2_9:
0xf: {  	_ =	swait.ge [sflag:s24], $0x3E80  }
0x10: {  	[sflag:s24] =	ssyncset.done $0x0  }
0x11: {  	[sflag:s24] =	ssyncadd.s32 $0xFFFFC180  }
0x12: {  	_ =	swait.ge [sflag:s24], $0x3E80  }
0x13: {  	[sflag:s24] =	ssyncset.done $0x0  }
0x14: {  	s26 =	sadd.s32 $0x1, s26;
	[sflag:s24] =	ssyncadd.s32 $0xFFFFC180  }
0x15: {  	p0 =	sne.s32 s26, s13;
	_ =	swait.ge [sflag:s25], $0x3E80  }
.Ltmp1:
0x16: {  	[sflag:s25] =	ssyncset.done $0x0;
	(pc) =	sbr.rel @!p0 .LBB2_10-.Ltmp1, $4  }
0x17: {  	[sflag:s25] =	ssyncadd.s32 $0xFFFFC180  }
0x18: {  	_ =	swait.ge [sflag:s25], $0x3E80  }
0x19: {  	[sflag:s25] =	ssyncset.done $0x0  }
0x1a: {  	[sflag:s25] =	ssyncadd.s32 $0xFFFFC180  }
.LBB2_1:
0x1b: {  	s0 =	rddreg [dreg:$0x1]  }
0x1c: {  	[tilespmem:s5], [sflag:$0x5] =	stream.linear.gather [hbm4b:s0+s5], $0x80, $0x38;
	[tilespmem:$0x17800] =	vst v63  }
0x1d: {  	_ =	swait.ge [sflag:s14], $0x80  }
0x1e: {  	[sflag:s14] =	ssyncset.done $0x0  }
0x1f: {  	[sflag:s14] =	ssyncadd.s32 $0xFFFFFF80  }
0x20: {  	[tilespmem:s15], [sflag:$0x5] =	stream.linear.gather [hbm4b:s4+s5], $0x80, $0x38;
	[tilespmem:$0x17800] =	vst v63  }
0x21: {  	_ =	swait.ge [sflag:s14], $0x80  }
.Ltmp2:
0x22: {  	[sflag:s14] =	ssyncset.done $0x0;
	(pc) =	sbr.rel .LBB2_2-.Ltmp2, $4  }
0x23: {  	[sflag:s14] =	ssyncadd.s32 $0xFFFFFF80  }
0x24: {  	[tilespmem:s16], [sflag:$0x1] =	stream.linear.gather [hbm4b:s9+s5], $0x3E80, $0x38;
	[tilespmem:$0x17800] =	vst v63  }
0x25: {  	s28 =	simm.s32 $0x0  }
0x26: {  	[tilespmem:s17], [sflag:$0x2] =	stream.linear.gather [hbm4b:s10+s5], $0x3E80, $0x38;
	[tilespmem:$0x17800] =	vst v63  }
.LBB2_8:
0x27: {  	s28 =	sadd.s32 $0x1, s28  }
0x28: {  	p0 =	sne.s32 s28, $0x4  }
.Ltmp3:
0x29: {  	_ = 	snop;
	(pc) =	sbr.rel @!p0 .LBB2_9-.Ltmp3, $1  }
0x2a: {  	_ =	sdelay $0x3  }
.LBB2_2:
0x2b: {  	_ =	swait.ge [sflag:s18], $0x3E80  }
0x2c: {  	p0 =	seq.s32 s28, $0x0;
	[sflag:s18] =	ssyncset.done $0x0  }
0x2d: {  	s0 =	simm.s32 @!p0 $0x3;
	[sflag:s18] =	ssyncadd.s32 $0xFFFFC180  }
0x2e: {  	_ =	swait.ge @!p0 [sflag:s0], $0x3E80  }
0x2f: {  	[sflag:s0] =	ssyncset.done @!p0 $0x0  }
0x30: {  	[sflag:s0] =	ssyncadd.s32 @!p0 $0xFFFFC180  }
0x31: {  	_ =	swait.ge @!p0 [sflag:s0], $0x3E80  }
0x32: {  	[sflag:s0] =	ssyncset.done @!p0 $0x0  }
0x33: {  	s3 =	simm.s32 $0x140;
	[sflag:s0] =	ssyncadd.s32 @!p0 $0xFFFFC180  }
0x34: {  	v0 =	vld [tilespmem:s3+$0x30]  }
0x35: {  	v1 =	vld [tilespmem:s3+$0xFFFFFFD0]  }
0x36: {  	v2 =	vld [tilespmem:s3+$0xFFFFFFE0]  }
0x37: {  	v3 =	vld [tilespmem:s3+$0xFFFFFFF0]  }
0x38: {  	v4 =	vld [tilespmem:s3+$0x0]  }
0x39: {  	v5 =	vld [tilespmem:s3+$0x10]  }
0x3a: {  	v6 =	vld [tilespmem:s3+$0x20]  }
0x3b: {  	v7 =	vld [tilespmem:s3+$0xFFFFFFC0]  }
0x3c: {  	v8 =	vld.idx.msk [tilespmem:v0+s5+$0x0], $0xffff  }
0x3d: {  	v9 =	vld.idx.msk [tilespmem:v1+s5+$0x0], $0xffff  }
0x3e: {  	v10 =	vld.idx.msk [tilespmem:v2+s5+$0x0], $0xffff  }
0x3f: {  	v11 =	vld.idx.msk [tilespmem:v3+s5+$0x0], $0xffff  }
0x40: {  	v12 =	vld.idx.msk [tilespmem:v4+s5+$0x0], $0xffff  }
0x41: {  	s30 =	simm.s32 $0x7E40;
	v13 =	vld.idx.msk [tilespmem:v5+s5+$0x0], $0xffff  }
0x42: {  	v14 =	vld.idx.msk [tilespmem:v6+s5+$0x0], $0xffff;
	[tilespmem:s30+$0x30] =	vst v8  }
0x43: {  	v62 =	vld.idx.msk [tilespmem:v7+s5+$0x0], $0xffff;
	[tilespmem:s30+$0xFFFFFFD0] =	vst v9  }
0x44: {  	[tilespmem:s30+$0xFFFFFFE0] =	vst v10;
	v8 =	vld.idx.msk [tilespmem:v0+s15+$0x0], $0xffff  }
0x45: {  	[tilespmem:s30+$0xFFFFFFF0] =	vst v11;
	v63 =	vld.idx.msk [tilespmem:v1+s15+$0x0], $0xffff  }
0x46: {  	[tilespmem:s30+$0x0] =	vst v12;
	v0 =	vld.idx.msk [tilespmem:v2+s15+$0x0], $0xffff  }
0x47: {  	[tilespmem:s30+$0x10] =	vst v13;
	v1 =	vld.idx.msk [tilespmem:v3+s15+$0x0], $0xffff  }
0x48: {  	[tilespmem:s30+$0x20] =	vst v14;
	v2 =	vld.idx.msk [tilespmem:v4+s15+$0x0], $0xffff  }
0x49: {  	s3 =	simm.s32 $0xFB40;
	[tilespmem:s30+$0xFFFFFFC0] =	vst v62;
	v3 =	vld.idx.msk [tilespmem:v5+s15+$0x0], $0xffff  }
0x4a: {  	s29 =	sshll.u32 s28, $0x6;
	v4 =	vld.idx.msk [tilespmem:v6+s15+$0x0], $0xffff;
	[tilespmem:s3+$0x30] =	vst v8  }
0x4b: {  	s2 =	simm.s32 $0x1C0;
	s31 =	sor.u32 s6, s29;
	s0 =	simm.s32 $0x0;
	v5 =	vld.idx.msk [tilespmem:v7+s15+$0x0], $0xffff;
	[tilespmem:s3+$0xFFFFFFD0] =	vst v63  }
.LBB2_3:
0x4c: {  	v6 =	vld [tilespmem:s2+$0x30];
	s0 =	sadd.s32 $0x8, s0;
	[tilespmem:s3+$0xFFFFFFE0] =	vst v0  }
0x4d: {  	v0 =	vld [tilespmem:s2+$0xFFFFFFD0];
	p1 =	slt.u32 s0, $0x3E0;
	[tilespmem:s3+$0xFFFFFFF0] =	vst v1  }
0x4e: {  	v1 =	vld [tilespmem:s2+$0xFFFFFFE0];
	[tilespmem:s3+$0x0] =	vst v2  }
0x4f: {  	v2 =	vld [tilespmem:s2+$0xFFFFFFF0];
	[tilespmem:s3+$0x10] =	vst v3  }
0x50: {  	v3 =	vld [tilespmem:s2+$0x0];
	[tilespmem:s3+$0x20] =	vst v4  }
0x51: {  	v4 =	vld [tilespmem:s2+$0x10];
	[tilespmem:s3+$0xFFFFFFC0] =	vst v5  }
0x52: {  	v5 =	vld [tilespmem:s2+$0x20]  }
0x53: {  	v7 =	vld [tilespmem:s2+$0xFFFFFFC0]  }
0x54: {  	v8 =	vld.idx.msk [tilespmem:v6+s5+$0x0], $0xffff  }
0x55: {  	v9 =	vld.idx.msk [tilespmem:v0+s5+$0x0], $0xffff  }
0x56: {  	v10 =	vld.idx.msk [tilespmem:v1+s5+$0x0], $0xffff  }
0x57: {  	v11 =	vld.idx.msk [tilespmem:v2+s5+$0x0], $0xffff  }
0x58: {  	v12 =	vld.idx.msk [tilespmem:v3+s5+$0x0], $0xffff  }
0x59: {  	s30 =	sadd.s32 $0x80, s30;
	v13 =	vld.idx.msk [tilespmem:v4+s5+$0x0], $0xffff  }
0x5a: {  	v14 =	vld.idx.msk [tilespmem:v5+s5+$0x0], $0xffff;
	[tilespmem:s30+$0x30] =	vst v8  }
0x5b: {  	[tilespmem:s30+$0xFFFFFFD0] =	vst v9;
	v6 =	vld.idx.msk [tilespmem:v6+s15+$0x0], $0xffff  }
0x5c: {  	v8 =	vld.idx.msk [tilespmem:v7+s5+$0x0], $0xffff;
	[tilespmem:s30+$0xFFFFFFE0] =	vst v10  }
0x5d: {  	v9 =	vld.idx.msk [tilespmem:v0+s15+$0x0], $0xffff;
	[tilespmem:s30+$0xFFFFFFF0] =	vst v11  }
0x5e: {  	v0 =	vld.idx.msk [tilespmem:v1+s15+$0x0], $0xffff;
	[tilespmem:s30+$0x0] =	vst v12  }
.Ltmp4:
0x5f: {  	v1 =	vld.idx.msk [tilespmem:v2+s15+$0x0], $0xffff;
	[tilespmem:s30+$0x10] =	vst v13;
	(pc) =	sbr.rel @p1 .LBB2_3-.Ltmp4, $4  }
0x60: {  	s3 =	sadd.s32 $0x80, s3;
	v2 =	vld.idx.msk [tilespmem:v3+s15+$0x0], $0xffff;
	[tilespmem:s30+$0x20] =	vst v14  }
0x61: {  	v3 =	vld.idx.msk [tilespmem:v4+s15+$0x0], $0xffff;
	[tilespmem:s3+$0x30] =	vst v6  }
0x62: {  	[tilespmem:s30+$0xFFFFFFC0] =	vst v8;
	v4 =	vld.idx.msk [tilespmem:v5+s15+$0x0], $0xffff  }
0x63: {  	s2 =	sadd.s32 $0x80, s2;
	v5 =	vld.idx.msk [tilespmem:v7+s15+$0x0], $0xffff;
	[tilespmem:s3+$0xFFFFFFD0] =	vst v9  }
0x64: {  	[tilespmem:s3+$0xFFFFFFE0] =	vst v0  }
0x65: {  	[tilespmem:s3+$0xFFFFFFF0] =	vst v1  }
0x66: {  	[tilespmem:s3+$0x0] =	vst v2  }
0x67: {  	s0 =	smul.u32 $0x7D0, s31;
	[tilespmem:s3+$0x10] =	vst v3  }
0x68: {  	[tilespmem:s3+$0x20] =	vst v4  }
0x69: {  	s2 =	sadd.s32 s7, s0;
	[tilespmem:s3+$0xFFFFFFC0] =	vst v5  }
0x6a: {  	[hbm4b:s2+s5] =	stream.linear.scatter [tilespmem:s19], [sflag:$0x3], $0x3E80, $0x38;
	[tilespmem:$0x17800] =	vst v63  }
0x6b: {  	s2 =	sadd.s32 s11, s29  }
0x6c: {  	p1 =	sgt.u32 s2, $0xF9  }
0x6d: {  	s30 =	sor.u32 $0x20, s31;
	s0 =	sadd.s32 s8, s0;
	s2 =	smul.u32 @!p1 $0x7D0, s2  }
0x6e: {  	[hbm4b:s0+s5] =	stream.linear.scatter [tilespmem:s20], [sflag:$0x3], $0x3E80, $0x38;
	[tilespmem:$0x17800] =	vst v63  }
0x6f: {  	s3 =	simm.s32 @!p1 $0x100;
	s0 =	sadd.s32 @!p1 s1, s2;
	s2 =	simm.s32 @!p1 $0x0  }
0x70: {  	[tilespmem:s3], [sflag:$0x1] =	stream.linear.gather @!p1 [hbm4b:s0+s2], $0x3E80, $0x38;
	[tilespmem:$0x17800] =	vst v63  }
0x71: {  	p1 =	sgt.u32 s30, $0xF9  }
.Ltmp5:
0x72: {  	_ = 	snop;
	(pc) =	sbr.rel @p1 .LBB2_8-.Ltmp5, $1  }
0x73: {  	_ =	sdelay $0x3  }
0x74: {  	_ =	swait.ge [sflag:s21], $0x3E80  }
0x75: {  	[sflag:s21] =	ssyncset.done $0x0  }
0x76: {  	s0 =	simm.s32 @!p0 $0x4;
	[sflag:s21] =	ssyncadd.s32 $0xFFFFC180  }
0x77: {  	_ =	swait.ge @!p0 [sflag:s0], $0x3E80  }
0x78: {  	[sflag:s0] =	ssyncset.done @!p0 $0x0  }
0x79: {  	[sflag:s0] =	ssyncadd.s32 @!p0 $0xFFFFC180  }
0x7a: {  	_ =	swait.ge @!p0 [sflag:s0], $0x3E80  }
0x7b: {  	[sflag:s0] =	ssyncset.done @!p0 $0x0  }
0x7c: {  	s3 =	simm.s32 $0x3FC0;
	[sflag:s0] =	ssyncadd.s32 @!p0 $0xFFFFC180  }
0x7d: {  	v0 =	vld [tilespmem:s3+$0x30]  }
0x7e: {  	v1 =	vld [tilespmem:s3+$0xFFFFFFD0]  }
0x7f: {  	v2 =	vld [tilespmem:s3+$0xFFFFFFE0]  }
0x80: {  	v3 =	vld [tilespmem:s3+$0xFFFFFFF0]  }
0x81: {  	v4 =	vld [tilespmem:s3+$0x0]  }
0x82: {  	v5 =	vld [tilespmem:s3+$0x10]  }
0x83: {  	v6 =	vld [tilespmem:s3+$0x20]  }
0x84: {  	v7 =	vld [tilespmem:s3+$0xFFFFFFC0]  }
0x85: {  	v8 =	vld.idx.msk [tilespmem:v0+s5+$0x0], $0xffff  }
0x86: {  	v9 =	vld.idx.msk [tilespmem:v1+s5+$0x0], $0xffff  }
0x87: {  	v10 =	vld.idx.msk [tilespmem:v2+s5+$0x0], $0xffff  }
0x88: {  	v11 =	vld.idx.msk [tilespmem:v3+s5+$0x0], $0xffff  }
0x89: {  	v12 =	vld.idx.msk [tilespmem:v4+s5+$0x0], $0xffff  }
0x8a: {  	s31 =	simm.s32 $0xBCC0;
	v13 =	vld.idx.msk [tilespmem:v5+s5+$0x0], $0xffff  }
0x8b: {  	v14 =	vld.idx.msk [tilespmem:v6+s5+$0x0], $0xffff;
	[tilespmem:s31+$0x30] =	vst v8  }
0x8c: {  	v62 =	vld.idx.msk [tilespmem:v7+s5+$0x0], $0xffff;
	[tilespmem:s31+$0xFFFFFFD0] =	vst v9  }
0x8d: {  	[tilespmem:s31+$0xFFFFFFE0] =	vst v10;
	v8 =	vld.idx.msk [tilespmem:v0+s15+$0x0], $0xffff  }
0x8e: {  	[tilespmem:s31+$0xFFFFFFF0] =	vst v11;
	v63 =	vld.idx.msk [tilespmem:v1+s15+$0x0], $0xffff  }
0x8f: {  	[tilespmem:s31+$0x0] =	vst v12;
	v0 =	vld.idx.msk [tilespmem:v2+s15+$0x0], $0xffff  }
0x90: {  	[tilespmem:s31+$0x10] =	vst v13;
	v1 =	vld.idx.msk [tilespmem:v3+s15+$0x0], $0xffff  }
0x91: {  	[tilespmem:s31+$0x20] =	vst v14;
	v2 =	vld.idx.msk [tilespmem:v4+s15+$0x0], $0xffff  }
0x92: {  	s3 =	simm.s32 $0x139C0;
	[tilespmem:s31+$0xFFFFFFC0] =	vst v62;
	v3 =	vld.idx.msk [tilespmem:v5+s15+$0x0], $0xffff  }
0x93: {  	v4 =	vld.idx.msk [tilespmem:v6+s15+$0x0], $0xffff;
	[tilespmem:s3+$0x30] =	vst v8  }
0x94: {  	s2 =	simm.s32 $0x4040;
	s0 =	simm.s32 $0x0;
	v5 =	vld.idx.msk [tilespmem:v7+s15+$0x0], $0xffff;
	[tilespmem:s3+$0xFFFFFFD0] =	vst v63  }
.LBB2_6:
0x95: {  	v6 =	vld [tilespmem:s2+$0x30];
	s0 =	sadd.s32 $0x8, s0;
	[tilespmem:s3+$0xFFFFFFE0] =	vst v0  }
0x96: {  	v0 =	vld [tilespmem:s2+$0xFFFFFFD0];
	p0 =	slt.u32 s0, $0x3E0;
	[tilespmem:s3+$0xFFFFFFF0] =	vst v1  }
0x97: {  	v1 =	vld [tilespmem:s2+$0xFFFFFFE0];
	[tilespmem:s3+$0x0] =	vst v2  }
0x98: {  	v2 =	vld [tilespmem:s2+$0xFFFFFFF0];
	[tilespmem:s3+$0x10] =	vst v3  }
0x99: {  	v3 =	vld [tilespmem:s2+$0x0];
	[tilespmem:s3+$0x20] =	vst v4  }
0x9a: {  	v4 =	vld [tilespmem:s2+$0x10];
	[tilespmem:s3+$0xFFFFFFC0] =	vst v5  }
0x9b: {  	v5 =	vld [tilespmem:s2+$0x20]  }
0x9c: {  	v7 =	vld [tilespmem:s2+$0xFFFFFFC0]  }
0x9d: {  	v8 =	vld.idx.msk [tilespmem:v6+s5+$0x0], $0xffff  }
0x9e: {  	v9 =	vld.idx.msk [tilespmem:v0+s5+$0x0], $0xffff  }
0x9f: {  	v10 =	vld.idx.msk [tilespmem:v1+s5+$0x0], $0xffff  }
0xa0: {  	v11 =	vld.idx.msk [tilespmem:v2+s5+$0x0], $0xffff  }
0xa1: {  	v12 =	vld.idx.msk [tilespmem:v3+s5+$0x0], $0xffff  }
0xa2: {  	s31 =	sadd.s32 $0x80, s31;
	v13 =	vld.idx.msk [tilespmem:v4+s5+$0x0], $0xffff  }
0xa3: {  	v14 =	vld.idx.msk [tilespmem:v5+s5+$0x0], $0xffff;
	[tilespmem:s31+$0x30] =	vst v8  }
0xa4: {  	[tilespmem:s31+$0xFFFFFFD0] =	vst v9;
	v6 =	vld.idx.msk [tilespmem:v6+s15+$0x0], $0xffff  }
0xa5: {  	v8 =	vld.idx.msk [tilespmem:v7+s5+$0x0], $0xffff;
	[tilespmem:s31+$0xFFFFFFE0] =	vst v10  }
0xa6: {  	v9 =	vld.idx.msk [tilespmem:v0+s15+$0x0], $0xffff;
	[tilespmem:s31+$0xFFFFFFF0] =	vst v11  }
0xa7: {  	v0 =	vld.idx.msk [tilespmem:v1+s15+$0x0], $0xffff;
	[tilespmem:s31+$0x0] =	vst v12  }
.Ltmp6:
0xa8: {  	v1 =	vld.idx.msk [tilespmem:v2+s15+$0x0], $0xffff;
	[tilespmem:s31+$0x10] =	vst v13;
	(pc) =	sbr.rel @p0 .LBB2_6-.Ltmp6, $4  }
0xa9: {  	s3 =	sadd.s32 $0x80, s3;
	v2 =	vld.idx.msk [tilespmem:v3+s15+$0x0], $0xffff;
	[tilespmem:s31+$0x20] =	vst v14  }
0xaa: {  	v3 =	vld.idx.msk [tilespmem:v4+s15+$0x0], $0xffff;
	[tilespmem:s3+$0x30] =	vst v6  }
0xab: {  	[tilespmem:s31+$0xFFFFFFC0] =	vst v8;
	v4 =	vld.idx.msk [tilespmem:v5+s15+$0x0], $0xffff  }
0xac: {  	s2 =	sadd.s32 $0x80, s2;
	v5 =	vld.idx.msk [tilespmem:v7+s15+$0x0], $0xffff;
	[tilespmem:s3+$0xFFFFFFD0] =	vst v9  }
0xad: {  	[tilespmem:s3+$0xFFFFFFE0] =	vst v0  }
0xae: {  	[tilespmem:s3+$0xFFFFFFF0] =	vst v1  }
0xaf: {  	[tilespmem:s3+$0x0] =	vst v2  }
0xb0: {  	s0 =	smul.u32 $0x7D0, s30;
	[tilespmem:s3+$0x10] =	vst v3  }
0xb1: {  	[tilespmem:s3+$0x20] =	vst v4  }
0xb2: {  	s2 =	sadd.s32 s7, s0;
	[tilespmem:s3+$0xFFFFFFC0] =	vst v5  }
0xb3: {  	[hbm4b:s2+s5] =	stream.linear.scatter [tilespmem:s22], [sflag:$0x4], $0x3E80, $0x38;
	[tilespmem:$0x17800] =	vst v63  }
0xb4: {  	s2 =	sadd.s32 s12, s29  }
.Ltmp7:
0xb5: {  	p0 =	sgt.u32 s2, $0xF9;
	(pc) =	sbr.rel .LBB2_8-.Ltmp7, $4  }
0xb6: {  	s0 =	sadd.s32 s8, s0;
	s2 =	smul.u32 @!p0 $0x7D0, s2  }
0xb7: {  	[hbm4b:s0+s5] =	stream.linear.scatter [tilespmem:s23], [sflag:$0x4], $0x3E80, $0x38;
	[tilespmem:$0x17800] =	vst v63  }
0xb8: {  	s3 =	simm.s32 @!p0 $0x3F80;
	s0 =	sadd.s32 @!p0 s1, s2;
	s2 =	simm.s32 @!p0 $0x0  }
0xb9: {  	[tilespmem:s3], [sflag:$0x2] =	stream.linear.gather @!p0 [hbm4b:s0+s2], $0x3E80, $0x38;
	[tilespmem:$0x17800] =	vst v63  }
.LBB2_10:
0xba: {  	_ =	sfence.sel $0x180000  }
0xbb: {  	[bflag:$0x0] =	sbarrier.arrive $0xFFFF  }
0xbc: {  	_ =	strace $0x90000047  }
0xbd: {  	s0 =	stileid.u32;
	[bflag:$0x2] =	sbarrier.arrive $0xFFFF  }
0xbe: {  	p0 =	sne.s32 s0, $0x0;
	s0 =	rddreg [dreg:$0x4]  }
0xbf: {  	s0 =	sadd.s32 @!p0 $0x100000, s0  }
0xc0: {  	[sflag:s0] =	ssyncadd.tile.s32 @!p0 $0x1;
	_ =	shalt  }
.Lfunc_end2:
_tile_overlayer_lowered:
.L_overlay_start_2:
0xc1: {  	(tag) =	ssettag $0x2  }
0xc2: {  	s0 =	rddreg [dreg:$0x0];
	s2 =	stileid.u32  }
0xc3: {  	s1 =	rddreg [dreg:$0x1];
	p0 =	sne.s32 s2, $0x0  }
0xc4: {  	s3 =	rddreg [dreg:$0x2];
	[bflag:$0x3] =	sbarrier.arrive $0xFFFF;
	s2 =	simm.s32 @!p0 $0x1C05  }
0xc5: {  	[timem:s3], [sflag:s2] =	dma.local @!p0 [hbm:s0], s1  }
0xc6: {  	s0 =	simm.s32 @!p0 $0x5  }
0xc7: {  	_ =	swait.ge @!p0 [sflag:s0], s1  }
0xc8: {  	s1 =	ssub.s32 @!p0 $0x0, s1;
	[sflag:s0] =	ssyncset.done @!p0 $0x0  }
0xc9: {  	[sflag:s0] =	ssyncadd.s32 @!p0 s1  }
0xca: {  	[bflag:$0x3] =	sbarrier.arrive $0xFFFF  }
0xcb: {  	_ =	shalt  }

</sc_bundles>
